<compile_context>
chip_gen: v7x
topology: tpu7x:2x2x1
jax: 0.10.2.dev20260603
libtpu: 0.0.44.dev20260713+nightly
codegen_flags: <defaults>
</compile_context>

<pallas_src>
import functools

import jax
import jax.numpy as jnp
from jax import lax
from jax.experimental import pallas as pl
from jax.experimental.pallas import tpu as pltpu
from jax.experimental.pallas import tpu_sc as plsc

B = 4096
S = 200
R = S + 1
NW = 32
ROWS_PW = B // NW
D = 64
CLS_ROW = 5162


def _sc_gather(table, src):
    mesh = plsc.VectorSubcoreMesh(core_axis_name="c", subcore_axis_name="s")

    @functools.partial(
        pl.kernel,
        out_type=jax.ShapeDtypeStruct((B, R, D), jnp.float32),
        mesh=mesh,
        scratch_types=[
            pltpu.VMEM((R,), jnp.int32),
            pltpu.VMEM((R, D), jnp.float32),
            pltpu.SemaphoreType.DMA,
        ],
        compiler_params=pltpu.CompilerParams(use_tc_tiling_on_sc=False),
    )
    def sc_kernel(table_hbm, src_hbm, out_hbm, idx_v, rows_v, g_sem):
        wid = lax.axis_index("s") * 2 + lax.axis_index("c")
        base = wid * ROWS_PW

        @pl.loop(0, ROWS_PW)
        def _(rr):
            row = base + rr
            pltpu.sync_copy(src_hbm.at[row], idx_v)
            pltpu.async_copy(table_hbm.at[idx_v], rows_v, g_sem).wait()
            pltpu.sync_copy(rows_v, out_hbm.at[row])

    return sc_kernel(table, src)


BB = 32


def _tc_body(y_ref, x_ref, l_ref, p_ref, b_ref, clshi_ref, emb_ref, mask_ref):
    dense = lax.dot_general(
        x_ref[...], p_ref[...],
        dimension_numbers=(((1,), (0,)), ((), ())),
        preferred_element_type=jnp.float32) + b_ref[0:1, :][None]
    emb_ref[:, :, 0:D] = y_ref[...]
    emb_ref[:, 0:1, D:2 * D] = jnp.broadcast_to(clshi_ref[...], (BB, 1, D))
    emb_ref[:, 1:, D:2 * D] = dense
    pos = lax.broadcasted_iota(jnp.int32, (BB, R), 1)
    mask_ref[...] = (pos >= l_ref[...] + 1).astype(jnp.int8)


def _tc_pass(y, x, l2, p, b2, clshi):
    return pl.pallas_call(
        _tc_body,
        grid=(B // BB,),
        in_specs=[
            pl.BlockSpec((BB, R, D), lambda i: (i, 0, 0)),
            pl.BlockSpec((BB, 4, S), lambda i: (i, 0, 0)),
            pl.BlockSpec((BB, 1), lambda i: (i, 0)),
            pl.BlockSpec((4, D), lambda i: (0, 0)),
            pl.BlockSpec((1, D), lambda i: (0, 0)),
            pl.BlockSpec((1, 1, D), lambda i: (0, 0, 0)),
        ],
        out_specs=[
            pl.BlockSpec((BB, R, 2 * D), lambda i: (i, 0, 0)),
            pl.BlockSpec((BB, R), lambda i: (i, 0)),
        ],
        out_shape=[
            jax.ShapeDtypeStruct((B, R, 2 * D), jnp.float32),
            jax.ShapeDtypeStruct((B, R), jnp.int8),
        ],
    )(y, x, l2, p, b2, clshi)


def kernel(x, l, dom_table, W, b, cls):
    dom_idx = x[:, :, 3].astype(jnp.int32)
    src = jnp.concatenate(
        [jnp.full((B, 1), CLS_ROW, jnp.int32), dom_idx], axis=1)
    table = jnp.concatenate([dom_table, cls[0, :, :D]], axis=0)
    y = _sc_gather(table, src)

    p = jnp.concatenate([W.T, jnp.zeros((1, D), jnp.float32)], axis=0)
    xt = jnp.transpose(x, (0, 2, 1))
    emb, mask8 = _tc_pass(y, xt, l.reshape(B, 1), p, b.reshape(1, D),
                          cls[:, :, D:])
    return emb, mask8.astype(jnp.bool_)

# --- scband reference (transcript-rebuilt; emitter-appended) ---
"""Pipeline reference for scband-ice-cube-embedding-89730456748093 (READ-ONLY COPY).

The authoritative reference and input builder live on the scoring server;
editing this copy changes nothing except your own understanding.
"""

import jax, jax.numpy as jnp
import numpy as np

NUM_DOMS = 5160
EMBEDDING_DIM = 128
DOM_EMBED_DIM = 64
B = 4096
S = 200

def setup_inputs(seed: int = 0) -> dict:
    key = jax.random.key(seed)
    k1, k2, k3, k4, k5, k6 = jax.random.split(key, 6)
    # x: last column is a dom id in [0, num_doms), first 3 columns are features
    x = jax.random.randint(k1, (B, S, 4), 0, NUM_DOMS).astype(jnp.float32)
    l = jax.random.randint(k2, (B,), 0, S).astype(jnp.int32)
    dom_table = jax.random.normal(k3, (NUM_DOMS + 2, DOM_EMBED_DIM), dtype=jnp.float32)
    W = jax.random.normal(k4, (EMBEDDING_DIM - DOM_EMBED_DIM, 3), dtype=jnp.float32) * 0.1
    b = jax.random.normal(k5, (EMBEDDING_DIM - DOM_EMBED_DIM,), dtype=jnp.float32) * 0.1
    cls = jax.random.normal(k6, (1, 1, EMBEDDING_DIM), dtype=jnp.float32)
    return {"x": x, "l": l, "dom_table": dom_table, "W": W, "b": b, "cls": cls}

def reference(x, l, dom_table, W, b, cls):
    batch_size, max_seq_len, _ = x.shape
    padding_mask = jnp.arange(max_seq_len)[None, :] >= l[:, None]
    dom_idx = x[:, :, -1].astype(jnp.int32)
    dom_embeds = jnp.take(dom_table, dom_idx, axis=0)  # [B, S, dom_embed_dim]
    other_features = x[:, :, :3]
    features_embeds = other_features @ W.T + b  # [B, S, embedding_dim - dom_embed_dim]
    combined_embeds = jnp.concatenate([dom_embeds, features_embeds], axis=2)
    cls_tok = jnp.broadcast_to(cls, (batch_size, 1, cls.shape[-1]))
    full_embedding = jnp.concatenate([cls_tok, combined_embeds], axis=1)
    padding_mask = jnp.concatenate(
        [jnp.zeros((batch_size, 1), dtype=bool), padding_mask], axis=1)
    return full_embedding, padding_mask

if __name__ == "__main__":
    import jax
    _d = setup_inputs()
    print(jax.jit(kernel)(*tuple(_d.values())))

</pallas_src>

<mosaic_0001>
#map = affine_map<(d0, d1) -> (0, 0)>
#map1 = affine_map<(d0, d1) -> (0, 0, 0)>
module attributes {stable_mosaic.version = 14 : i64} {
  func.func @sc_kernel(%arg0: i32, %arg1: i32, %arg2: memref<5163x64xf32, #tpu.memory_space<hbm>>, %arg3: memref<4096x201xi32, #tpu.memory_space<hbm>>, %arg4: memref<4096x201x64xf32, #tpu.memory_space<hbm>>, %arg5: memref<201xi32, #tpu.memory_space<vmem>>, %arg6: memref<201x64xf32, #tpu.memory_space<vmem>>, %arg7: memref<!tpu.dma_semaphore, #tpu.memory_space<semaphore_mem>>) attributes {dimension_semantics = [#tpu.dimension_semantics<core_parallel>, #tpu.dimension_semantics<subcore_parallel>], iteration_bounds = array<i64: 2, 16>, scalar_prefetch = 0 : i64, scratch_operands = 3 : i64, tpu.core_type = #tpu.core_type<sc_vector_subcore>, window_params = [{transform_indices = #map}, {transform_indices = #map}, {transform_indices = #map1}]} {
    %mul3A = arith.constant 2 : i32
    %mul3A_0 = arith.muli %arg1, %mul3A : i32
    %add3A = arith.addi %mul3A_0, %arg0 : i32
    %mul3A_1 = arith.constant 128 : i32
    %mul3A_2 = arith.muli %add3A, %mul3A_1 : i32
    %scan3A = arith.constant 0 : i32
    %scan3A_3 = arith.constant 128 : i32
    %scan3A_4 = arith.addi %scan3A, %scan3A_3 : i32
    %scan3A_5 = arith.constant 1 : i32
    scf.for %scan3A_7 = %scan3A to %scan3A_4 step %scan3A_5  : i32 {
      %mul3A_8 = arith.constant 1 : i32
      %mul3A_9 = arith.muli %scan3A_7, %mul3A_8 : i32
      %add3A_10 = arith.constant 0 : i32
      %add3A_11 = arith.addi %add3A_10, %mul3A_9 : i32
      %add3A_12 = arith.addi %mul3A_2, %add3A_11 : i32
      "tpu.region"() ({
        %run_scoped3A = tpu.sem_alloc : memref<!tpu.dma_semaphore, #tpu.memory_space<semaphore_mem>>
        %dma_start3A_17 = arith.constant 0 : i32
        %dma_start3A_18 = tpu.memref_slice %arg3[%add3A_12, %dma_start3A_17] : memref<4096x201xi32, #tpu.memory_space<hbm>> -> memref<1x201xi32, #tpu.memory_space<hbm>>
        %dma_start3A_19 = tpu.memref_squeeze %dma_start3A_18 : memref<1x201xi32, #tpu.memory_space<hbm>> -> memref<201xi32, #tpu.memory_space<hbm>>
        %dma_start3A_20 = arith.constant 0 : i32
        %dma_start3A_21 = tpu.memref_slice %arg3[%add3A_12, %dma_start3A_20] : memref<4096x201xi32, #tpu.memory_space<hbm>> -> memref<1x201xi32, #tpu.memory_space<hbm>>
        %dma_start3A_22 = tpu.memref_squeeze %dma_start3A_21 : memref<1x201xi32, #tpu.memory_space<hbm>> -> memref<201xi32, #tpu.memory_space<hbm>>
        tpu.enqueue_dma source(%dma_start3A_22 : memref<201xi32, #tpu.memory_space<hbm>>) target(%arg5 : memref<201xi32, #tpu.memory_space<vmem>>) target_semaphore(%run_scoped3A : memref<!tpu.dma_semaphore, #tpu.memory_space<semaphore_mem>>)
        %dma_wait3A_23 = arith.constant 0 : i32
        %dma_wait3A_24 = tpu.memref_slice %arg3[%add3A_12, %dma_wait3A_23] : memref<4096x201xi32, #tpu.memory_space<hbm>> -> memref<1x201xi32, #tpu.memory_space<hbm>>
        %dma_wait3A_25 = tpu.memref_squeeze %dma_wait3A_24 : memref<1x201xi32, #tpu.memory_space<hbm>> -> memref<201xi32, #tpu.memory_space<hbm>>
        %dma_wait3A_26 = arith.constant 0 : i32
        %dma_wait3A_27 = tpu.memref_slice %arg3[%add3A_12, %dma_wait3A_26] : memref<4096x201xi32, #tpu.memory_space<hbm>> -> memref<1x201xi32, #tpu.memory_space<hbm>>
        %dma_wait3A_28 = tpu.memref_squeeze %dma_wait3A_27 : memref<1x201xi32, #tpu.memory_space<hbm>> -> memref<201xi32, #tpu.memory_space<hbm>>
        tpu.wait_dma2 semaphore(%run_scoped3A : memref<!tpu.dma_semaphore, #tpu.memory_space<semaphore_mem>>) src(%dma_wait3A_28 : memref<201xi32, #tpu.memory_space<hbm>>) dst(%arg5 : memref<201xi32, #tpu.memory_space<vmem>>)
        tpu.yield
      }) : () -> ()
      %dma_start3A = arith.constant 0 : i32
      %dma_start3A_13 = arith.constant 0 : i32
      %dma_start3A_14 = tpu.memref_slice %arg2[%dma_start3A, %dma_start3A_13] : memref<5163x64xf32, #tpu.memory_space<hbm>> -> memref<5163x64xf32, #tpu.memory_space<hbm>>
      tpu.enqueue_indirect_dma source(%dma_start3A_14 : memref<5163x64xf32, #tpu.memory_space<hbm>>) target(%arg6 : memref<201x64xf32, #tpu.memory_space<vmem>>) offsets(%arg5 : memref<201xi32, #tpu.memory_space<vmem>>) semaphore(%arg7 : memref<!tpu.dma_semaphore, #tpu.memory_space<semaphore_mem>>)
      %dma_wait3A = arith.constant 0 : i32
      %dma_wait3A_15 = arith.constant 0 : i32
      %dma_wait3A_16 = tpu.memref_slice %arg2[%dma_wait3A, %dma_wait3A_15] : memref<5163x64xf32, #tpu.memory_space<hbm>> -> memref<5163x64xf32, #tpu.memory_space<hbm>>
      tpu.wait_indirect_dma semaphore(%arg7 : memref<!tpu.dma_semaphore, #tpu.memory_space<semaphore_mem>>) src(%dma_wait3A_16 : memref<5163x64xf32, #tpu.memory_space<hbm>>) dst(%arg6 : memref<201x64xf32, #tpu.memory_space<vmem>>)
      "tpu.region"() ({
        %run_scoped3A = tpu.sem_alloc : memref<!tpu.dma_semaphore, #tpu.memory_space<semaphore_mem>>
        %dma_start3A_17 = arith.constant 0 : i32
        %dma_start3A_18 = arith.constant 0 : i32
        %dma_start3A_19 = tpu.memref_slice %arg4[%add3A_12, %dma_start3A_17, %dma_start3A_18] : memref<4096x201x64xf32, #tpu.memory_space<hbm>> -> memref<1x201x64xf32, #tpu.memory_space<hbm>>
        %dma_start3A_20 = tpu.memref_squeeze %dma_start3A_19 : memref<1x201x64xf32, #tpu.memory_space<hbm>> -> memref<201x64xf32, #tpu.memory_space<hbm>>
        %dma_start3A_21 = arith.constant 0 : i32
        %dma_start3A_22 = arith.constant 0 : i32
        %dma_start3A_23 = tpu.memref_slice %arg4[%add3A_12, %dma_start3A_21, %dma_start3A_22] : memref<4096x201x64xf32, #tpu.memory_space<hbm>> -> memref<1x201x64xf32, #tpu.memory_space<hbm>>
        %dma_start3A_24 = tpu.memref_squeeze %dma_start3A_23 : memref<1x201x64xf32, #tpu.memory_space<hbm>> -> memref<201x64xf32, #tpu.memory_space<hbm>>
        tpu.enqueue_dma source(%arg6 : memref<201x64xf32, #tpu.memory_space<vmem>>) target(%dma_start3A_24 : memref<201x64xf32, #tpu.memory_space<hbm>>) target_semaphore(%run_scoped3A : memref<!tpu.dma_semaphore, #tpu.memory_space<semaphore_mem>>)
        %dma_wait3A_25 = arith.constant 0 : i32
        %dma_wait3A_26 = arith.constant 0 : i32
        %dma_wait3A_27 = tpu.memref_slice %arg4[%add3A_12, %dma_wait3A_25, %dma_wait3A_26] : memref<4096x201x64xf32, #tpu.memory_space<hbm>> -> memref<1x201x64xf32, #tpu.memory_space<hbm>>
        %dma_wait3A_28 = tpu.memref_squeeze %dma_wait3A_27 : memref<1x201x64xf32, #tpu.memory_space<hbm>> -> memref<201x64xf32, #tpu.memory_space<hbm>>
        %dma_wait3A_29 = arith.constant 0 : i32
        %dma_wait3A_30 = arith.constant 0 : i32
        %dma_wait3A_31 = tpu.memref_slice %arg4[%add3A_12, %dma_wait3A_29, %dma_wait3A_30] : memref<4096x201x64xf32, #tpu.memory_space<hbm>> -> memref<1x201x64xf32, #tpu.memory_space<hbm>>
        %dma_wait3A_32 = tpu.memref_squeeze %dma_wait3A_31 : memref<1x201x64xf32, #tpu.memory_space<hbm>> -> memref<201x64xf32, #tpu.memory_space<hbm>>
        tpu.wait_dma2 semaphore(%run_scoped3A : memref<!tpu.dma_semaphore, #tpu.memory_space<semaphore_mem>>) src(%arg6 : memref<201x64xf32, #tpu.memory_space<vmem>>) dst(%dma_wait3A_32 : memref<201x64xf32, #tpu.memory_space<hbm>>)
        tpu.yield
      }) : () -> ()
    }
    %scan3A_6 = arith.constant 128 : i32
    return
  }
}

module attributes {stable_mosaic.version = 14 : i64} {
  func.func @_tc_body(%arg0: i32, %arg1: memref<32x201x64xf32, #tpu.memory_space<vmem>>, %arg2: memref<32x4x200xf32, #tpu.memory_space<vmem>>, %arg3: memref<32x1xi32, #tpu.memory_space<vmem>>, %arg4: memref<4x64xf32, #tpu.memory_space<vmem>>, %arg5: memref<1x64xf32, #tpu.memory_space<vmem>>, %arg6: memref<1x1x64xf32, #tpu.memory_space<vmem>>, %arg7: memref<32x201x128xf32, #tpu.memory_space<vmem>>, %arg8: memref<32x201xi8, #tpu.memory_space<vmem>>) attributes {dimension_semantics = [#tpu.dimension_semantics<arbitrary>], iteration_bounds = array<i64: 128>, scalar_prefetch = 0 : i64, scratch_operands = 0 : i64, tpu.core_type = #tpu.core_type<tc>, window_params = [{transform_indices = @transform_0, window_bounds = array<i64: 32, 201, 64>}, {transform_indices = @transform_1, window_bounds = array<i64: 32, 4, 200>}, {transform_indices = @transform_2, window_bounds = array<i64: 32, 1>}, {pipeline_mode = #tpu.pipeline_mode<synchronous>, transform_indices = @transform_3, window_bounds = array<i64: 4, 64>}, {pipeline_mode = #tpu.pipeline_mode<synchronous>, transform_indices = @transform_4, window_bounds = array<i64: 1, 64>}, {pipeline_mode = #tpu.pipeline_mode<synchronous>, transform_indices = @transform_5, window_bounds = array<i64: 1, 1, 64>}, {transform_indices = @transform_6, window_bounds = array<i64: 32, 201, 128>}, {transform_indices = @transform_7, window_bounds = array<i64: 32, 201>}]} {
    %get3A = arith.constant 0 : index
    %get3A_0 = arith.constant 0 : index
    %get3A_1 = arith.constant 0 : index
    %get3A_2 = vector.load %arg2[%get3A, %get3A_0, %get3A_1] : memref<32x4x200xf32, #tpu.memory_space<vmem>>, vector<32x4x200xf32>
    %get3A_3 = arith.constant 0 : index
    %get3A_4 = arith.constant 0 : index
    %get3A_5 = vector.load %arg4[%get3A_3, %get3A_4] : memref<4x64xf32, #tpu.memory_space<vmem>>, vector<4x64xf32>
    %dot_general3A = arith.constant dense<0.000000e+00> : vector<32x200x64xf32>
    %dot_general3A_6 = tpu.matmul %get3A_2, %get3A_5, %dot_general3A {dimension_numbers = #tpu.dot_dimension_numbers<[1], [0], [0, 2], [1], [0, 0, 0, 2, 1, 1], [], []>, transpose_lhs_hint = false} : vector<32x4x200xf32>, vector<4x64xf32>, vector<32x200x64xf32> -> vector<32x200x64xf32>
    %get3A_7 = arith.constant 0 : index
    %get3A_8 = arith.constant 0 : index
    %get3A_9 = vector.load %arg5[%get3A_7, %get3A_8] : memref<1x64xf32, #tpu.memory_space<vmem>>, vector<1x64xf32>
    %broadcast_in_dim3A = vector.shape_cast %get3A_9 : vector<1x64xf32> to vector<1x1x64xf32>
    %add3A = vector.broadcast %broadcast_in_dim3A : vector<1x1x64xf32> to vector<32x200x64xf32>
    %add3A_10 = arith.addf %dot_general3A_6, %add3A : vector<32x200x64xf32>
    %get3A_11 = arith.constant 0 : index
    %get3A_12 = arith.constant 0 : index
    %get3A_13 = arith.constant 0 : index
    %get3A_14 = vector.load %arg1[%get3A_11, %get3A_12, %get3A_13] : memref<32x201x64xf32, #tpu.memory_space<vmem>>, vector<32x201x64xf32>
    %swap3A = arith.constant 0 : index
    %swap3A_15 = arith.constant 0 : index
    %swap3A_16 = arith.constant 0 : index
    %swap3A_17 = vector.load %arg7[%swap3A, %swap3A_15, %swap3A_16] : memref<32x201x128xf32, #tpu.memory_space<vmem>>, vector<32x201x64xf32>
    tpu.vector_store %arg7[%swap3A, %swap3A_15, %swap3A_16], %get3A_14 {strides = array<i32>} : memref<32x201x128xf32, #tpu.memory_space<vmem>>, vector<32x201x64xf32>,
    %get3A_18 = arith.constant 0 : index
    %get3A_19 = arith.constant 0 : index
    %get3A_20 = arith.constant 0 : index
    %get3A_21 = vector.load %arg6[%get3A_18, %get3A_19, %get3A_20] : memref<1x1x64xf32, #tpu.memory_space<vmem>>, vector<1x1x64xf32>
    %broadcast_in_dim3A_22 = vector.shape_cast %get3A_21 : vector<1x1x64xf32> to vector<1x1x64xf32>
    %broadcast_in_dim3A_23 = vector.broadcast %broadcast_in_dim3A_22 : vector<1x1x64xf32> to vector<32x1x64xf32>
    %swap3A_24 = arith.constant 0 : index
    %swap3A_25 = arith.constant 0 : index
    %swap3A_26 = arith.constant 64 : index
    %swap3A_27 = vector.load %arg7[%swap3A_24, %swap3A_25, %swap3A_26] : memref<32x201x128xf32, #tpu.memory_space<vmem>>, vector<32x1x64xf32>
    tpu.vector_store %arg7[%swap3A_24, %swap3A_25, %swap3A_26], %broadcast_in_dim3A_23 {strides = array<i32>} : memref<32x201x128xf32, #tpu.memory_space<vmem>>, vector<32x1x64xf32>,
    %swap3A_28 = arith.constant 0 : index
    %swap3A_29 = arith.constant 1 : index
    %swap3A_30 = arith.constant 64 : index
    %swap3A_31 = vector.load %arg7[%swap3A_28, %swap3A_29, %swap3A_30] : memref<32x201x128xf32, #tpu.memory_space<vmem>>, vector<32x200x64xf32>
    tpu.vector_store %arg7[%swap3A_28, %swap3A_29, %swap3A_30], %add3A_10 {strides = array<i32>} : memref<32x201x128xf32, #tpu.memory_space<vmem>>, vector<32x200x64xf32>,
    %iota3A = tpu.iota {dimensions = array<i32: 1>} : vector<32x201xi32>
    %get3A_32 = arith.constant 0 : index
    %get3A_33 = arith.constant 0 : index
    %get3A_34 = vector.load %arg3[%get3A_32, %get3A_33] : memref<32x1xi32, #tpu.memory_space<vmem>>, vector<32x1xi32>
    %add3A_35 = arith.constant 1 : i32
    %add3A_36 = vector.broadcast %add3A_35 : i32 to vector<32x1xi32>
    %add3A_37 = arith.addi %get3A_34, %add3A_36 : vector<32x1xi32>
    %ge3A = vector.broadcast %add3A_37 : vector<32x1xi32> to vector<32x201xi32>
    %ge3A_38 = arith.cmpi sge, %iota3A, %ge3A : vector<32x201xi32>
    %convert_element_type3A = arith.extui %ge3A_38 : vector<32x201xi1> to vector<32x201xi8>
    %swap3A_39 = arith.constant 0 : index
    %swap3A_40 = arith.constant 0 : index
    %swap3A_41 = vector.load %arg8[%swap3A_39, %swap3A_40] : memref<32x201xi8, #tpu.memory_space<vmem>>, vector<32x201xi8>
    tpu.vector_store %arg8[%swap3A_39, %swap3A_40], %convert_element_type3A {strides = array<i32>} : memref<32x201xi8, #tpu.memory_space<vmem>>, vector<32x201xi8>,
    return
  }
  func.func @transform_0(%arg0: i32) -> (i32, i32, i32) {
    %c0_i32 = arith.constant 0 : i32
    %c0_i32_0 = arith.constant 0 : i32
    %c0_i32_1 = arith.constant 0 : i32
    return %arg0, %c0_i32, %c0_i32_0 : i32, i32, i32
  }
  func.func @transform_1(%arg0: i32) -> (i32, i32, i32) {
    %c0_i32 = arith.constant 0 : i32
    %c0_i32_0 = arith.constant 0 : i32
    %c0_i32_1 = arith.constant 0 : i32
    return %arg0, %c0_i32, %c0_i32_0 : i32, i32, i32
  }
  func.func @transform_2(%arg0: i32) -> (i32, i32) {
    %c0_i32 = arith.constant 0 : i32
    %c0_i32_0 = arith.constant 0 : i32
    return %arg0, %c0_i32 : i32, i32
  }
  func.func @transform_3(%arg0: i32) -> (i32, i32) {
    %c0_i32 = arith.constant 0 : i32
    %c0_i32_0 = arith.constant 0 : i32
    %c0_i32_1 = arith.constant 0 : i32
    return %c0_i32, %c0_i32_0 : i32, i32
  }
  func.func @transform_4(%arg0: i32) -> (i32, i32) {
    %c0_i32 = arith.constant 0 : i32
    %c0_i32_0 = arith.constant 0 : i32
    %c0_i32_1 = arith.constant 0 : i32
    return %c0_i32, %c0_i32_0 : i32, i32
  }
  func.func @transform_5(%arg0: i32) -> (i32, i32, i32) {
    %c0_i32 = arith.constant 0 : i32
    %c0_i32_0 = arith.constant 0 : i32
    %c0_i32_1 = arith.constant 0 : i32
    %c0_i32_2 = arith.constant 0 : i32
    return %c0_i32, %c0_i32_0, %c0_i32_1 : i32, i32, i32
  }
  func.func @transform_6(%arg0: i32) -> (i32, i32, i32) {
    %c0_i32 = arith.constant 0 : i32
    %c0_i32_0 = arith.constant 0 : i32
    %c0_i32_1 = arith.constant 0 : i32
    return %arg0, %c0_i32, %c0_i32_0 : i32, i32, i32
  }
  func.func @transform_7(%arg0: i32) -> (i32, i32) {
    %c0_i32 = arith.constant 0 : i32
    %c0_i32_0 = arith.constant 0 : i32
    return %arg0, %c0_i32 : i32, i32
  }
}

</mosaic_0001>

<sc_bundles>
// kernel: kernel.4.cloned.1.call-start
scs
__scs_entry_jumppad:
0x0: {  	(pc) =	sbr.rel $0x88, $3  }
0x1: {  	(tag) =	ssettag $0x0;
	lr =	simm.s32 $0x1  }
0x2: {  	[smem:$0x3F9B] =	sst lr;
	_ =	strace $0xD0000000  }
0x3: {  	_ = 	snop  }
0x4: {  	_ = 	snop  }
0x5: {  	_ = 	snop  }
0x6: {  	_ = 	snop  }
0x7: {  	_ = 	snop  }
__scs_overlays_trampoline_lowered:
0x8: {  	[smem:$0x3FAA] =	sst s0  }
0x9: {  	[smem:$0x3FAB] =	sst s1  }
0xa: {  	[smem:$0x3FAC] =	sst s2  }
0xb: {  	[smem:$0x3FAD] =	sst s3  }
0xc: {  	[smem:$0x3FAE] =	sst s4  }
0xd: {  	[smem:$0x3FAF] =	sst s5  }
0xe: {  	[smem:$0x3FB0] =	sst s6  }
0xf: {  	[smem:$0x3FB1] =	sst s7  }
0x10: {  	[smem:$0x3FB2] =	sst s8  }
0x11: {  	[smem:$0x3FB3] =	sst s9;
	s0 =	simm.s32 @!p0 $0x0  }
0x12: {  	s1 =	sld [smem:$0x3F99];
	s0 =	simm.s32 @p0 $0x1  }
0x13: {  	[smem:$0x3FB4] =	sst s0;
	s0 =	simm.s32 @!p1 $0x0  }
0x14: {  	s2 =	sld [smem:$0x3F98];
	s0 =	simm.s32 @p1 $0x1  }
0x15: {  	[smem:$0x3FB5] =	sst s0;
	s0 =	simm.s32 @!p2 $0x0  }
0x16: {  	s3 =	sld [smem:$0x3FDB];
	s0 =	simm.s32 @p2 $0x1  }
0x17: {  	s4 =	simm.s32 $0x1BF5;
	[smem:$0x3FB7] =	sst s0  }
0x18: {  	s0 =	sld [smem:$0x3F9A];
	_ =	swait.ge [sflag:s4], $0x0  }
0x19: {  	s7 =	sld [smem:$0x3F9B]  }
0x1a: {  	s8 =	sadd.s32 $0xFFFFE003, lr  }
0x1b: {  	s9 =	sadd.s32 $0xFFFFFEF7, lr;
	s5 =	simm.s32 $0xFFFFFFFF;
	p2 =	slt.u32 s8, $0xFFFFF086  }
0x1c: {  	p1 =	slt.u32 s9, $0xF7A;
	s5 =	simm.s32 @!p2 $0x0  }
0x1d: {  	s5 =	simm.s32 @p1 $0x1;
	p0 =	seq.s32 s7, s2  }
0x1e: {  	s7 =	smul.u32 @!p0 $0xF7A, s2;
	p2 =	seq.s32 @!p0 s5, $0x0  }
0x1f: {  	s9 =	smul.u32 $0xF7A, s1;
	s8 =	simm.s32 @!p0 $0x1BF5;
	p2 =	por !p2, p0  }
0x20: {  	[sflag:s8] =	ssyncset.s32 @!p0 $0xFFFFF086;
	s6 =	sadd.s32 @!p0 s3, s7;
	s7 =	simm.s32 @!p0 $0x108  }
0x21: {  	s3 =	sadd.s32 s3, s9;
	s6 =	sadd.s32 @!p0 $0x88, s6;
	s7 =	simm.s32 @p2 $0x1082  }
0x22: {  	[simem:s7], [sflag:s8] =	dma.local @!p0 [hbm:s6], $0xF7A  }
0x23: {  	s9 =	sor.u32 $0xD0000000, s2;
	s6 =	simm.s32 $0x108;
	_ =	swait.ge @!p0 [sflag:s8], $0x0  }
0x24: {  	s3 =	sadd.s32 $0x88, s3;
	s6 =	simm.s32 @!p1 $0x1082;
	[sflag:s4] =	ssyncset.s32 $0xFFFFF086  }
0x25: {  	[simem:s6], [sflag:s4] =	dma.local [hbm:s3], $0xF7A  }
0x26: {  	[smem:$0x3F9B] =	sst s1;
	(tag) =	ssettag s2;
	_ =	strace s9  }
0x27: {  	s1 =	sld [smem:$0x3FAB]  }
0x28: {  	s2 =	sld [smem:$0x3FAC]  }
0x29: {  	s4 =	sld [smem:$0x3FAE]  }
0x2a: {  	p0 =	seq.s32 s5, $0x0;
	s5 =	sld [smem:$0x3FAF]  }
0x2b: {  	s6 =	sld [smem:$0x3FB0]  }
0x2c: {  	s7 =	sld [smem:$0x3FB1]  }
0x2d: {  	s3 =	simm.s32 $0x108;
	s8 =	sld [smem:$0x3FB2]  }
0x2e: {  	s3 =	simm.s32 @!p0 $0x1082;
	s9 =	sld [smem:$0x3FB3]  }
0x2f: {  	lr =	sadd.s32 s0, s3;
	s0 =	sld [smem:$0x3FAA]  }
0x30: {  	s3 =	sld [smem:$0x3FAD]  }
0x31: {  	[smem:$0x3FB6] =	sst s10  }
0x32: {  	s10 =	sld [smem:$0x3FB4];
	_ =	sdelay $0x3  }
0x33: {  	p0 =	seq.s32 s10, $0x1;
	s10 =	sld [smem:$0x3FB6];
	_ =	sdelay $0x3  }
0x34: {  	[smem:$0x3FB6] =	sst s10  }
0x35: {  	s10 =	sld [smem:$0x3FB5];
	_ =	sdelay $0x3  }
0x36: {  	p1 =	seq.s32 s10, $0x1;
	s10 =	sld [smem:$0x3FB6];
	_ =	sdelay $0x3  }
0x37: {  	[smem:$0x3FB6] =	sst s10  }
0x38: {  	s10 =	sld [smem:$0x3FB7]  }
0x39: {  	_ = 	snop;
	(pc) =	sbr.ind lr, $3  }
0x3a: {  	_ = 	snop  }
0x3b: {  	_ = 	snop  }
0x3c: {  	p2 =	seq.s32 s10, $0x1;
	s10 =	sld [smem:$0x3FB6]  }
0x3d: {  	_ =	shalt  }
0x3e: {  	_ =	shalt  }
0x3f: {  	_ =	shalt  }
0x40: {  	_ =	shalt  }
0x41: {  	_ =	shalt  }
0x42: {  	_ =	shalt  }
0x43: {  	_ =	shalt  }
0x44: {  	_ =	shalt  }
0x45: {  	_ =	shalt  }
0x46: {  	_ =	shalt  }
0x47: {  	_ =	shalt  }
0x48: {  	_ =	shalt  }
0x49: {  	_ =	shalt  }
0x4a: {  	_ =	shalt  }
0x4b: {  	_ =	shalt  }
0x4c: {  	_ =	shalt  }
0x4d: {  	_ =	shalt  }
0x4e: {  	_ =	shalt  }
0x4f: {  	_ =	shalt  }
0x50: {  	_ =	shalt  }
0x51: {  	_ =	shalt  }
0x52: {  	_ =	shalt  }
0x53: {  	_ =	shalt  }
0x54: {  	_ =	shalt  }
0x55: {  	_ =	shalt  }
0x56: {  	_ =	shalt  }
0x57: {  	_ =	shalt  }
0x58: {  	_ =	shalt  }
0x59: {  	_ =	shalt  }
0x5a: {  	_ =	shalt  }
0x5b: {  	_ =	shalt  }
0x5c: {  	_ =	shalt  }
0x5d: {  	_ =	shalt  }
0x5e: {  	_ =	shalt  }
0x5f: {  	_ =	shalt  }
0x60: {  	_ =	shalt  }
0x61: {  	_ =	shalt  }
0x62: {  	_ =	shalt  }
0x63: {  	_ =	shalt  }
0x64: {  	_ =	shalt  }
0x65: {  	_ =	shalt  }
0x66: {  	_ =	shalt  }
0x67: {  	_ =	shalt  }
0x68: {  	_ =	shalt  }
0x69: {  	_ =	shalt  }
0x6a: {  	_ =	shalt  }
0x6b: {  	_ =	shalt  }
0x6c: {  	_ =	shalt  }
0x6d: {  	_ =	shalt  }
0x6e: {  	_ =	shalt  }
0x6f: {  	_ =	shalt  }
0x70: {  	_ =	shalt  }
0x71: {  	_ =	shalt  }
0x72: {  	_ =	shalt  }
0x73: {  	_ =	shalt  }
0x74: {  	_ =	shalt  }
0x75: {  	_ =	shalt  }
0x76: {  	_ =	shalt  }
0x77: {  	_ =	shalt  }
0x78: {  	_ =	shalt  }
0x79: {  	_ =	shalt  }
0x7a: {  	_ =	shalt  }
0x7b: {  	_ =	shalt  }
0x7c: {  	_ =	shalt  }
0x7d: {  	_ =	shalt  }
0x7e: {  	_ =	shalt  }
0x7f: {  	_ =	shalt  }
0x80: {  	_ =	shalt  }
0x81: {  	_ =	shalt  }
0x82: {  	_ =	shalt  }
0x83: {  	_ =	shalt  }
0x84: {  	_ =	shalt  }
0x85: {  	_ =	shalt  }
0x86: {  	_ =	shalt  }
0x87: {  	_ =	shalt  }
.Lfunc_end0:
.L_simem_size_0:
called_computation_lowered:
.L_overlay_start_0:
0x88: {  	s2 =	sld [smem:$0x3FD9]  }
0x89: {  	s3 =	sld [smem:$0x3FFE];
	_ =	sdelay $0x1  }
0x8a: {  	s1 =	srdreg.scid  }
0x8b: {  	s0 =	sand.u32 $0x1, s1  }
0x8c: {  	s14 =	sshll.u32 s0, $0xA;
	s2 =	sadd.s32 s3, s2  }
0x8d: {  	s2 =	sadd.s32 s2, s14  }
0x8e: {  	[smem:$0x3FC2] =	sst s2  }
0x8f: {  	_ = 	snop  }
0x90: {  	s2 =	sld [smem:$0x3FD0];
	_ =	sdelay $0x2  }
0x91: {  	s15 =	simm.s32 $0xA;
	s4 =	simm.s32 $0x10  }
0x92: {  	[smem:s4], [sflag:s15] =	dma.local [hbm:s2], $0x1  }
0x93: {  	_ =	swait.eq [sflag:s15], $0x1  }
0x94: {  	[sflag:s15] =	ssyncset.done $0x0  }
0x95: {  	[sflag:s15] =	ssyncadd.s32 $0xFFFFFFFF  }
0x96: {  	s16 =	sld [smem:$0x10];
	(tm) =	ssettm $0x1  }
0x97: {  	s17 =	sld [smem:$0x3FFB];
	_ =	sdelay $0x3  }
0x98: {  	_ =	strace s17  }
0x99: {  	s3 =	sld [smem:$0x3FFC];
	_ =	sdelay $0x3  }
0x9a: {  	_ =	strace s3  }
0x9b: {  	s3 =	sld [smem:$0x3FFD];
	_ =	sdelay $0x3  }
0x9c: {  	_ =	strace s3  }
0x9d: {  	_ =	strace $0x8FFFFFFF  }
0x9e: {  	s18 =	sld [smem:$0x3FDB];
	_ =	sdelay $0x1  }
0x9f: {  	s19 =	simm.s32 $_scs_section_size  }
0xa0: {  	s5 =	simm.s32 $_size__tile_overlayer_lowered;
	s6 =	simm.s32 $_tile_overlayer_lowered  }
0xa1: {  	s22 =	simm.s32 $0x1BFF;
	s21 =	sshll.u32 s6, $0x1;
	s3 =	sadd.s32 s19, s18  }
0xa2: {  	s7 =	simm.s32 $0x0;
	s20 =	sshll.u32 s5, $0x1;
	s5 =	sadd.s32 s21, s3  }
0xa3: {  	[timem:s7], [sflag:s22] =	dma.local [hbm:s5], s20  }
0xa4: {  	_ =	swait.ge [sflag:s22], s20  }
0xa5: {  	s4 =	ssub.s32 $0x0, s20;
	[sflag:s22] =	ssyncset.done $0x0  }
0xa6: {  	[sflag:s22] =	ssyncadd.s32 s4;
	_ =	sdelay $0x1  }
0xa7: {  	s23 =	simm.s32 $0x1B8B  }
0xa8: {  	_ =	swait.ge [sflag:s23], $0x1  }
0xa9: {  	[sflag:s23] =	ssyncset.done $0x0  }
0xaa: {  	s25 =	simm.s32 $0x1B8E;
	s24 =	sld [smem:$0x3FFE];
	[sflag:s23] =	ssyncadd.s32 $0xFFFFFFFF  }
0xab: {  	s26 =	simm.s32 $execute0_lowered;
	[smem:$0x3FD2] =	sst s25  }
0xac: {  	s5 =	sshll.u32 s26, $0x1;
	_ =	strace $0x80000046;
	[dreg:$0x1] =	wrdreg $0xFFFFFFFF  }
0xad: {  	s28 =	simm.s32 $_size_execute0_lowered;
	s3 =	sadd.s32 s3, s5;
	[dreg:$0x0] =	wrdreg $0x0  }
0xae: {  	s5 =	sshll.u32 s28, $0x1;
	[dreg:$0x2] =	wrdreg s3  }
0xaf: {  	[dreg:$0x3] =	wrdreg s5  }
0xb0: {  	[dreg:$0x4] =	wrdreg $0xC0  }
0xb1: {  	_ =	task [dreg:s7], $0x5FFFF  }
0xb2: {  	[dreg:$0x1] =	wrdreg $0xFFFFFFFF  }
0xb3: {  	[dreg:$0x0] =	wrdreg $0x60  }
0xb4: {  	[dreg:$0x2] =	wrdreg s24  }
0xb5: {  	[dreg:$0x3] =	wrdreg s16  }
0xb6: {  	[dreg:$0x4] =	wrdreg $0x9  }
0xb7: {  	_ =	task.clear_ibuf [dreg:s7], $0x5FFFF;
	_ =	strace $0x90000046  }
0xb8: {  	s29 =	simm.s32 $0x9;
	_ =	strace $0x80000048  }
0xb9: {  	_ =	swait.ge [sflag:s29], $0x1  }
0xba: {  	[sflag:s29] =	ssyncadd.s32 $0xFFFFFFFF  }
0xbb: {  	_ =	strace $0x90000048  }
0xbc: {  	_ =	sfence  }
0xbd: {  	s30 =	sld [smem:$0x0];
	_ =	sdelay $0x2  }
0xbe: {  	s31 =	sshll.u32 s1, $0xD;
	s1 =	sshrl.u32 s1, $0x2  }
0xbf: {  	s3 =	sand.u32 $0x4000, s31;
	s1 =	sadd.s32 s1, s30  }
0xc0: {  	s0 =	sor.u32 s3, s0;
	s1 =	sshll.u32 s1, $0x11  }
0xc1: {  	s0 =	sor.u32 s1, s0  }
0xc2: {  	s0 =	sadd.s32 $0x8F2B, s0  }
0xc3: {  	[sflag:s0] =	ssyncadd.remote.s32 $0x1  }
0xc4: {  	_ =	sfence.sel $0xFFFF  }
0xc5: {  	[dreg:$0x0] =	wrdreg $0xFFFFFFFF;
	(pc) =	sbr.abs _section_cstart, $3  }
0xc6: {  	[dreg:$0x1] =	wrdreg $0xFFFFFFFF  }
0xc7: {  	_ =	task.clear_ibuf [dreg:s7], $0x2FFFF;
	_ =	strace $0x9FFFFFFF  }
0xc8: {  	(tm) =	ssettm $0x7FFFFFFF  }
0xc9: {  	_ =	shalt  }
tec
execute0_lowered:
.L_overlay_start_1:
0x0: {  	(tag) =	ssettag $0x1  }
0x1: {  	s4 =	rddreg [dreg:$0x0]  }
0x2: {  	s6 =	rddreg [dreg:$0x1]  }
0x3: {  	s0 =	rddreg [dreg:$0x2];
	s1 =	stileid.u32  }
0x4: {  	s2 =	simm.s32 $0x0;
	s3 =	srdreg.scid;
	s5 =	smul.u32 $0x1A00, s1  }
0x5: {  	s11 =	simm.s32 $0x0;
	s7 =	sand.u32 $0x1, s3;
	s10 =	smul.u32 $0x64800, s1  }
0x6: {  	[smem:$0x7FF] =	sst s2;
	s3 =	sadd.s32 $0x1A00, s4;
	s9 =	smul.u32 $0xD00, s7  }
0x7: {  	_ =	strace $0x80000047;
	s8 =	ssub.s32 $0x2, s7;
	s7 =	smul.u32 $0x32400, s7  }
0x8: {  	s4 =	sadd.s32 s5, s4;
	s30 =	sshrl.u32 s8, $0x1;
	s6 =	sadd.s32 s10, s6  }
0x9: {  	s10 =	simm.s32 $0x1;
	s5 =	ssub.s32 s8, s30;
	s31 =	sadd.s32 s9, s4  }
0xa: {  	s6 =	sadd.s32 s7, s6;
	s7 =	simm.s32 $0x2;
	s8 =	simm.s32 $0xC9  }
0xb: {  	s9 =	simm.s32 $0xD0;
	s4 =	smax.u32 s5, $0x1;
	s5 =	sadd.s32 $0xBC00, s31  }
.LBB2_1:
0xc: {  	s12 =	sadd.s32 $0x0, s5  }
0xd: {  	[tilespmem:s2], [sflag:$0x2] =	stream.linear.gather [hbm4b:s12+s2], $0xD0, $0x38;
	[tilespmem:$0x3310] =	vst v63  }
0xe: {  	_ =	swait.ge [sflag:s7], $0xD0  }
0xf: {  	[sflag:s7] =	ssyncset.done $0x0  }
0x10: {  	[sflag:s7] =	ssyncadd.s32 $0xFFFFFF30  }
0x11: {  	[tilespmem:s9], [sflag:$0x1] =	stream.indirect.gather [hbm4b:s3+s8], $0x40, s2, s8, $0xb8;
	[tilespmem:$0x3310] =	vst v63  }
0x12: {  	_ =	swait.ge [sflag:s10], $0x3240  }
0x13: {  	[sflag:s10] =	ssyncset.done $0x0  }
0x14: {  	[sflag:s10] =	ssyncadd.s32 $0xFFFFCDC0  }
0x15: {  	[hbm4b:s6+s2] =	stream.linear.scatter [tilespmem:s9], [sflag:$0x2], $0x3240, $0x38;
	[tilespmem:$0x3310] =	vst v63  }
0x16: {  	s13 =	simm.s32 $0x1A;
	_ =	swait.ge [sflag:s7], $0x3240  }
0x17: {  	s14 =	simm.s32 $0x34;
	s12 =	sadd.s32 $0x648, s6;
	[sflag:s7] =	ssyncset.done $0x0  }
.LBB2_2:
0x18: {  	s15 =	sadd.s32 s13, s5  }
0x19: {  	[sflag:s7] =	ssyncadd.s32 $0xFFFFCDC0;
	s13 =	smov.u32 s14;
	s16 =	sadd.s32 $0x1A, s14  }
0x1a: {  	[tilespmem:s2], [sflag:$0x2] =	stream.linear.gather [hbm4b:s15+s2], $0xD0, $0x38;
	[tilespmem:$0x3310] =	vst v63  }
0x1b: {  	p0 =	sne.s32 s14, $0xCE6;
	_ =	swait.ge [sflag:s7], $0xD0  }
0x1c: {  	[sflag:s7] =	ssyncset.done $0x0  }
0x1d: {  	[sflag:s7] =	ssyncadd.s32 $0xFFFFFF30  }
0x1e: {  	[tilespmem:s9], [sflag:$0x1] =	stream.indirect.gather [hbm4b:s3+s8], $0x40, s2, s8, $0xb8;
	[tilespmem:$0x3310] =	vst v63  }
0x1f: {  	_ =	swait.ge [sflag:s10], $0x3240  }
.Ltmp0:
0x20: {  	[sflag:s10] =	ssyncset.done $0x0;
	(pc) =	sbr.rel @p0 .LBB2_2-.Ltmp0, $4  }
0x21: {  	[sflag:s10] =	ssyncadd.s32 $0xFFFFCDC0  }
0x22: {  	[hbm4b:s12+s2] =	stream.linear.scatter [tilespmem:s9], [sflag:$0x2], $0x3240, $0x38;
	[tilespmem:$0x3310] =	vst v63  }
0x23: {  	_ =	swait.ge [sflag:s7], $0x3240  }
0x24: {  	s14 =	smov.u32 s16;
	s12 =	sadd.s32 $0x648, s12;
	[sflag:s7] =	ssyncset.done $0x0  }
0x25: {  	s13 =	sadd.s32 s13, s5;
	[sflag:s7] =	ssyncadd.s32 $0xFFFFCDC0  }
0x26: {  	[tilespmem:s2], [sflag:$0x2] =	stream.linear.gather [hbm4b:s13+s2], $0xD0, $0x38;
	[tilespmem:$0x3310] =	vst v63  }
0x27: {  	_ =	swait.ge [sflag:s7], $0xD0  }
0x28: {  	[sflag:s7] =	ssyncset.done $0x0  }
0x29: {  	[sflag:s7] =	ssyncadd.s32 $0xFFFFFF30  }
0x2a: {  	[tilespmem:s9], [sflag:$0x1] =	stream.indirect.gather [hbm4b:s3+s8], $0x40, s2, s8, $0xb8;
	[tilespmem:$0x3310] =	vst v63  }
0x2b: {  	s11 =	sadd.s32 $0x1, s11;
	_ =	swait.ge [sflag:s10], $0x3240  }
0x2c: {  	p0 =	sne.s32 s11, s4;
	[sflag:s10] =	ssyncset.done $0x0  }
.Ltmp1:
0x2d: {  	[sflag:s10] =	ssyncadd.s32 $0xFFFFCDC0;
	(pc) =	sbr.rel @p0 .LBB2_1-.Ltmp1, $4  }
0x2e: {  	[hbm4b:s12+s2] =	stream.linear.scatter [tilespmem:s9], [sflag:$0x2], $0x3240, $0x38;
	[tilespmem:$0x3310] =	vst v63  }
0x2f: {  	_ =	swait.ge [sflag:s7], $0x3240  }
0x30: {  	[sflag:s7] =	ssyncset.done $0x0  }
0x31: {  	[sflag:s7] =	ssyncadd.s32 $0xFFFFCDC0  }
0x32: {  	_ =	sfence.sel $0x180000  }
0x33: {  	[bflag:$0x0] =	sbarrier.arrive $0xFFFF  }
0x34: {  	p0 =	sne.s32 s1, $0x0;
	_ =	strace $0x90000047  }
0x35: {  	s0 =	sadd.s32 @!p0 $0x100000, s0;
	[bflag:$0x2] =	sbarrier.arrive $0xFFFF  }
0x36: {  	[sflag:s0] =	ssyncadd.tile.s32 @!p0 $0x1;
	_ =	shalt  }
.Lfunc_end2:
_tile_overlayer_lowered:
.L_overlay_start_2:
0x37: {  	(tag) =	ssettag $0x2  }
0x38: {  	s0 =	rddreg [dreg:$0x0];
	s2 =	stileid.u32  }
0x39: {  	s1 =	rddreg [dreg:$0x1];
	p0 =	sne.s32 s2, $0x0  }
0x3a: {  	s3 =	rddreg [dreg:$0x2];
	[bflag:$0x3] =	sbarrier.arrive $0xFFFF;
	s2 =	simm.s32 @!p0 $0x1C02  }
0x3b: {  	[timem:s3], [sflag:s2] =	dma.local @!p0 [hbm:s0], s1  }
0x3c: {  	s0 =	simm.s32 @!p0 $0x2  }
0x3d: {  	_ =	swait.ge @!p0 [sflag:s0], s1  }
0x3e: {  	s1 =	ssub.s32 @!p0 $0x0, s1;
	[sflag:s0] =	ssyncset.done @!p0 $0x0  }
0x3f: {  	[sflag:s0] =	ssyncadd.s32 @!p0 s1  }
0x40: {  	[bflag:$0x3] =	sbarrier.arrive $0xFFFF  }
0x41: {  	_ =	shalt  }

</sc_bundles>
